<compile_context>
chip_gen: v7x
topology: tpu7x:2x2x1
jax: 0.10.2.dev20260603
libtpu: 0.0.44.dev20260713+nightly
codegen_flags: <defaults>
</compile_context>

<pallas_src>
import jax
import jax.numpy as jnp
import numpy as np
from jax import lax
from jax.experimental import pallas as pl
from jax.experimental.pallas import tpu as pltpu

_N_ANCHORS = 9
_FEAT_STRIDE = 16
_PRE_NMS = 6000
_POST_NMS = 300
_NMS_THRESH = 0.7
_MIN_SIZE = 16
_PAD = 6016
_ROWS = _PAD // 128


def _whctrs(a):
    w = a[2] - a[0] + 1.0
    h = a[3] - a[1] + 1.0
    return w, h, a[0] + 0.5 * (w - 1), a[1] + 0.5 * (h - 1)


def _mkanchors(ws, hs, x, y):
    ws = ws[:, None]
    hs = hs[:, None]
    return np.hstack((x - 0.5 * (ws - 1), y - 0.5 * (hs - 1),
                      x + 0.5 * (ws - 1), y + 0.5 * (hs - 1)))


def _gen_anchors(base_size=16, ratios=(0.5, 1.0, 2.0), scales=(8, 16, 32)):
    base = np.array([1, 1, base_size, base_size], dtype=np.float64) - 1
    w, h, x, y = _whctrs(base)
    size = w * h
    ws = np.round(np.sqrt(size / np.array(ratios)))
    hs = np.round(ws * np.array(ratios))
    ra = _mkanchors(ws, hs, x, y)
    out = []
    for i in range(ra.shape[0]):
        w, h, x, y = _whctrs(ra[i])
        out.append(_mkanchors(w * np.array(scales), h * np.array(scales), x, y))
    return np.vstack(out).astype(np.float32)


def _conv(x, w, b, pad):
    y = lax.conv_general_dilated(x, w, (1, 1), [(pad, pad), (pad, pad)],
                                 dimension_numbers=('NCHW', 'OIHW', 'NCHW'))
    return y + b[None, :, None, None]


def _nms_body(x1_ref, y1_ref, x2_ref, y2_ref, out_ref, aidx_scr):
    x1 = x1_ref[...]
    y1 = y1_ref[...]
    x2 = x2_ref[...]
    y2 = y2_ref[...]
    areas = (x2 - x1 + 1.0) * (y2 - y1 + 1.0)
    ridx = lax.broadcasted_iota(jnp.int32, (_ROWS, 128), 0)
    cidx = lax.broadcasted_iota(jnp.int32, (_ROWS, 128), 1)
    fidx = ridx * 128 + cidx
    big = jnp.int32(2**30)
    aidx_scr[...] = jnp.where(fidx < _PRE_NMS, fidx, big)
    lane1 = lax.broadcasted_iota(jnp.int32, (1, 128), 1)
    neg = jnp.float32(-jnp.inf)

    def body(i, carry):
        aidx = aidx_scr[...]
        jraw = jnp.min(aidx)
        j = jnp.where(jraw >= big, 0, jraw)
        r = j // 128
        c = j - r * 128
        pickl = lane1 == c
        x1j = jnp.max(jnp.where(pickl, x1_ref[pl.ds(r, 1), :], neg))
        y1j = jnp.max(jnp.where(pickl, y1_ref[pl.ds(r, 1), :], neg))
        x2j = jnp.max(jnp.where(pickl, x2_ref[pl.ds(r, 1), :], neg))
        y2j = jnp.max(jnp.where(pickl, y2_ref[pl.ds(r, 1), :], neg))
        aj = (x2j - x1j + 1.0) * (y2j - y1j + 1.0)
        xx1 = jnp.maximum(x1j, x1)
        yy1 = jnp.maximum(y1j, y1)
        xx2 = jnp.minimum(x2j, x2)
        yy2 = jnp.minimum(y2j, y2)
        iw = jnp.maximum(0.0, xx2 - xx1 + 1.0)
        ih = jnp.maximum(0.0, yy2 - yy1 + 1.0)
        inter = iw * ih
        ovr = inter / (aj + areas - inter)
        aidx_scr[...] = jnp.where(ovr > _NMS_THRESH, big, aidx)
        row = jnp.where(lane1 == 1, x1j,
              jnp.where(lane1 == 2, y1j,
              jnp.where(lane1 == 3, x2j,
              jnp.where(lane1 == 4, y2j, 0.0))))
        out_ref[pl.ds(i, 1), :] = row
        return carry

    lax.fori_loop(0, _POST_NMS, body, 0)


def _nms_pallas(props):
    npad = _PAD - _PRE_NMS
    x1 = jnp.concatenate([props[:, 0], jnp.zeros((npad,), jnp.float32)])
    y1 = jnp.concatenate([props[:, 1], jnp.zeros((npad,), jnp.float32)])
    x2 = jnp.concatenate([props[:, 2], jnp.full((npad,), -1.0, jnp.float32)])
    y2 = jnp.concatenate([props[:, 3], jnp.full((npad,), -1.0, jnp.float32)])
    args = [a.reshape(_ROWS, 128) for a in (x1, y1, x2, y2)]
    out = pl.pallas_call(
        _nms_body,
        out_shape=jax.ShapeDtypeStruct((_POST_NMS, 128), jnp.float32),
        scratch_shapes=[pltpu.VMEM((_ROWS, 128), jnp.int32)],
    )(*args)
    return out[:, :5]


def kernel(features, gt_boxes, im_info, conv_w, conv_b, cls_w, cls_b, box_w, box_b):
    bsize, _, h, w = features.shape
    rpn_feat = jax.nn.relu(_conv(features, conv_w, conv_b, 1))
    cls_score = _conv(rpn_feat, cls_w, cls_b, 0)
    cls_prob = jax.nn.softmax(cls_score.reshape(bsize, 2, _N_ANCHORS, h, w),
                              axis=1).reshape(bsize, 2 * _N_ANCHORS, h, w)
    box_reg = _conv(rpn_feat, box_w, box_b, 0)

    scores = cls_prob[:, _N_ANCHORS:, :, :].transpose(0, 2, 3, 1).reshape(-1)
    deltas = box_reg.transpose(0, 2, 3, 1).reshape(-1, 4)

    anchors = jnp.asarray(_gen_anchors(_FEAT_STRIDE))
    sx = np.arange(w) * _FEAT_STRIDE
    sy = np.arange(h) * _FEAT_STRIDE
    sx, sy = np.meshgrid(sx, sy)
    shifts = jnp.asarray(np.stack([sx.ravel(), sy.ravel(), sx.ravel(), sy.ravel()],
                                  axis=1).astype(np.float32))
    all_anchors = (anchors[None, :, :] + shifts[:, None, :]).reshape(-1, 4)

    ws = all_anchors[:, 2] - all_anchors[:, 0] + 1.0
    hs = all_anchors[:, 3] - all_anchors[:, 1] + 1.0
    cx = all_anchors[:, 0] + 0.5 * ws
    cy = all_anchors[:, 1] + 0.5 * hs
    dx, dy, dw, dh = deltas[:, 0], deltas[:, 1], deltas[:, 2], deltas[:, 3]
    pcx = dx * ws + cx
    pcy = dy * hs + cy
    pw = jnp.exp(dw) * ws
    ph = jnp.exp(dh) * hs
    proposals = jnp.stack([pcx - 0.5 * pw, pcy - 0.5 * ph,
                           pcx + 0.5 * pw, pcy + 0.5 * ph], axis=1)
    H = im_info[0, 0]
    W = im_info[0, 1]
    proposals = jnp.stack([
        jnp.clip(proposals[:, 0], 0.0, W - 1.0),
        jnp.clip(proposals[:, 1], 0.0, H - 1.0),
        jnp.clip(proposals[:, 2], 0.0, W - 1.0),
        jnp.clip(proposals[:, 3], 0.0, H - 1.0)], axis=1)

    min_size = _MIN_SIZE * im_info[0, 2]
    pws = proposals[:, 2] - proposals[:, 0] + 1.0
    phs = proposals[:, 3] - proposals[:, 1] + 1.0
    valid = (pws >= min_size) & (phs >= min_size)
    scores = jnp.where(valid, scores, -1e9)

    top_scores, order = lax.top_k(scores, _PRE_NMS)
    props = proposals[order]
    return _nms_pallas(props)

# --- scband reference (transcript-rebuilt; emitter-appended) ---
"""Pipeline reference for scband-rpn-12369505813076 (READ-ONLY COPY).

The authoritative reference and input builder live on the scoring server;
editing this copy changes nothing except your own understanding.
"""

import jax, jax.numpy as jnp
import numpy as np

N_ANCHORS = 9
FEAT_STRIDE = 16
PRE_NMS_TOPN = 6000
POST_NMS_TOPN = 300
NMS_THRESH = 0.7
MIN_SIZE = 16

def _whctrs(a):
    w = a[2] - a[0] + 1.0
    h = a[3] - a[1] + 1.0
    return w, h, a[0] + 0.5 * (w - 1), a[1] + 0.5 * (h - 1)

def _mkanchors(ws, hs, x, y):
    ws = ws[:, None]
    hs = hs[:, None]
    return np.hstack((x - 0.5 * (ws - 1), y - 0.5 * (hs - 1), x + 0.5 * (ws - 1), y + 0.5 * (hs - 1)))

def _ratio_enum(a, ratios):
    w, h, x, y = _whctrs(a)
    size = w * h
    ws = np.round(np.sqrt(size / np.array(ratios)))
    hs = np.round(ws * np.array(ratios))
    return _mkanchors(ws, hs, x, y)

def _scale_enum(a, scales):
    w, h, x, y = _whctrs(a)
    return _mkanchors(w * np.array(scales), h * np.array(scales), x, y)

def generate_anchors(base_size=16, ratios=(0.5, 1.0, 2.0), scales=(8, 16, 32)):
    base = np.array([1, 1, base_size, base_size], dtype=np.float64) - 1
    ra = _ratio_enum(base, ratios)
    return np.vstack([_scale_enum(ra[i], scales) for i in range(ra.shape[0])]).astype(np.float32)

def conv2d(x, w, b, pad):
    y = jax.lax.conv_general_dilated(x, w, (1, 1), [(pad, pad), (pad, pad)], dimension_numbers=('NCHW', 'OIHW', 'NCHW'))
    return y + b[None, :, None, None]

def bbox_transform_inv(boxes, deltas):
    ws = boxes[:, 2] - boxes[:, 0] + 1.0
    hs = boxes[:, 3] - boxes[:, 1] + 1.0
    cx = boxes[:, 0] + 0.5 * ws
    cy = boxes[:, 1] + 0.5 * hs
    dx, dy, dw, dh = deltas[:, 0], deltas[:, 1], deltas[:, 2], deltas[:, 3]
    pcx = dx * ws + cx
    pcy = dy * hs + cy
    pw = jnp.exp(dw) * ws
    ph = jnp.exp(dh) * hs
    return jnp.stack([pcx - 0.5 * pw, pcy - 0.5 * ph, pcx + 0.5 * pw, pcy + 0.5 * ph], axis=1)

def clip_boxes(boxes, im_info):
    H = im_info[0, 0]
    W = im_info[0, 1]
    x1 = jnp.clip(boxes[:, 0], 0.0, W - 1.0)
    y1 = jnp.clip(boxes[:, 1], 0.0, H - 1.0)
    x2 = jnp.clip(boxes[:, 2], 0.0, W - 1.0)
    y2 = jnp.clip(boxes[:, 3], 0.0, H - 1.0)
    return jnp.stack([x1, y1, x2, y2], axis=1)

def nms(boxes, scores, thresh, k):
    x1, y1, x2, y2 = boxes[:, 0], boxes[:, 1], boxes[:, 2], boxes[:, 3]
    areas = (x2 - x1 + 1.0) * (y2 - y1 + 1.0)
    def body(i, state):
        s, keep = state
        j = jnp.argmax(s)
        keep = keep.at[i].set(j.astype(jnp.int32))
        xx1 = jnp.maximum(x1[j], x1)
        yy1 = jnp.maximum(y1[j], y1)
        xx2 = jnp.minimum(x2[j], x2)
        yy2 = jnp.minimum(y2[j], y2)
        iw = jnp.maximum(0.0, xx2 - xx1 + 1.0)
        ih = jnp.maximum(0.0, yy2 - yy1 + 1.0)
        inter = iw * ih
        ovr = inter / (areas[j] + areas - inter)
        s = jnp.where(ovr > thresh, -jnp.inf, s)
        return s, keep
    s, keep = jax.lax.fori_loop(0, k, body, (scores, jnp.zeros((k,), jnp.int32)))
    return keep

def get_proposals(cls_prob, box_reg, im_info):
    b, _, h, w = cls_prob.shape
    scores = cls_prob[:, N_ANCHORS:, :, :].transpose(0, 2, 3, 1).reshape(-1)
    deltas = box_reg.transpose(0, 2, 3, 1).reshape(-1, 4)
    anchors = jnp.asarray(generate_anchors(FEAT_STRIDE))
    sx = np.arange(w) * FEAT_STRIDE
    sy = np.arange(h) * FEAT_STRIDE
    sx, sy = np.meshgrid(sx, sy)
    shifts = jnp.asarray(np.stack([sx.ravel(), sy.ravel(), sx.ravel(), sy.ravel()], axis=1).astype(np.float32))
    all_anchors = (anchors[None, :, :] + shifts[:, None, :]).reshape(-1, 4)
    proposals = bbox_transform_inv(all_anchors, deltas)
    proposals = clip_boxes(proposals, im_info)
    min_size = MIN_SIZE * im_info[0, 2]
    ws = proposals[:, 2] - proposals[:, 0] + 1.0
    hs = proposals[:, 3] - proposals[:, 1] + 1.0
    valid = (ws >= min_size) & (hs >= min_size)
    scores = jnp.where(valid, scores, -1e9)
    top_scores, order = jax.lax.top_k(scores, PRE_NMS_TOPN)
    props = proposals[order]
    keep = nms(props, top_scores, NMS_THRESH, POST_NMS_TOPN)
    boxes = props[keep]
    return jnp.concatenate([jnp.zeros((POST_NMS_TOPN, 1), boxes.dtype), boxes], axis=1)

def setup_inputs(seed: int = 0):
    key = jax.random.key(seed)
    ks = jax.random.split(key, 8)
    features = jax.random.normal(ks[0], (1, 256, 64, 64), jnp.float32)
    gt_boxes = jax.random.uniform(ks[1], (1, 20, 5), jnp.float32)
    im_info = jnp.ones((1, 3), jnp.float32) * jnp.array([[1024.0, 1024.0, 1.0]], jnp.float32)
    conv_w = jax.random.normal(ks[2], (512, 256, 3, 3), jnp.float32) * 0.01
    conv_b = jnp.zeros((512,), jnp.float32)
    cls_w = jax.random.normal(ks[3], (18, 512, 1, 1), jnp.float32) * 0.01
    cls_b = jnp.zeros((18,), jnp.float32)
    box_w = jax.random.normal(ks[4], (36, 512, 1, 1), jnp.float32) * 0.01
    box_b = jnp.zeros((36,), jnp.float32)
    return {"features": features, "gt_boxes": gt_boxes, "im_info": im_info, "conv_w": conv_w, "conv_b": conv_b, "cls_w": cls_w, "cls_b": cls_b, "box_w": box_w, "box_b": box_b}

def reference(features, gt_boxes, im_info, conv_w, conv_b, cls_w, cls_b, box_w, box_b):
    bsize, _, h, w = features.shape
    rpn_feat = jax.nn.relu(conv2d(features, conv_w, conv_b, 1))
    cls_score = conv2d(rpn_feat, cls_w, cls_b, 0)
    cls_reshape = cls_score.reshape(bsize, 2, N_ANCHORS, h, w)
    cls_prob = jax.nn.softmax(cls_reshape, axis=1).reshape(bsize, 2 * N_ANCHORS, h, w)
    box_reg = conv2d(rpn_feat, box_w, box_b, 0)
    rois = get_proposals(jax.lax.stop_gradient(cls_prob), jax.lax.stop_gradient(box_reg), jax.lax.stop_gradient(im_info))
    rois = jax.lax.stop_gradient(rois)
    return rois

if __name__ == "__main__":
    import jax
    _d = setup_inputs()
    print(jax.jit(kernel)(*tuple(_d.values())))

</pallas_src>

<mosaic_0001>
module attributes {stable_mosaic.version = 14 : i64} {
  func.func @_nms_body(%arg0: memref<47x128xf32, #tpu.memory_space<vmem>>, %arg1: memref<47x128xf32, #tpu.memory_space<vmem>>, %arg2: memref<47x128xf32, #tpu.memory_space<vmem>>, %arg3: memref<47x128xf32, #tpu.memory_space<vmem>>, %arg4: memref<300x128xf32, #tpu.memory_space<vmem>>, %arg5: memref<47x128xi32, #tpu.memory_space<vmem>>) attributes {dimension_semantics = [], scalar_prefetch = 0 : i64, scratch_operands = 1 : i64, tpu.core_type = #tpu.core_type<tc>} {
    %get3A = arith.constant 0 : index
    %get3A_0 = arith.constant 0 : index
    %get3A_1 = vector.load %arg0[%get3A, %get3A_0] : memref<47x128xf32, #tpu.memory_space<vmem>>, vector<47x128xf32>
    %get3A_2 = arith.constant 0 : index
    %get3A_3 = arith.constant 0 : index
    %get3A_4 = vector.load %arg1[%get3A_2, %get3A_3] : memref<47x128xf32, #tpu.memory_space<vmem>>, vector<47x128xf32>
    %get3A_5 = arith.constant 0 : index
    %get3A_6 = arith.constant 0 : index
    %get3A_7 = vector.load %arg2[%get3A_5, %get3A_6] : memref<47x128xf32, #tpu.memory_space<vmem>>, vector<47x128xf32>
    %get3A_8 = arith.constant 0 : index
    %get3A_9 = arith.constant 0 : index
    %get3A_10 = vector.load %arg3[%get3A_8, %get3A_9] : memref<47x128xf32, #tpu.memory_space<vmem>>, vector<47x128xf32>
    %sub3A = arith.subf %get3A_7, %get3A_1 : vector<47x128xf32>
    %add3A = arith.constant 1.000000e+00 : f32
    %add3A_11 = vector.broadcast %add3A : f32 to vector<47x128xf32>
    %add3A_12 = arith.addf %sub3A, %add3A_11 : vector<47x128xf32>
    %sub3A_13 = arith.subf %get3A_10, %get3A_4 : vector<47x128xf32>
    %add3A_14 = arith.constant 1.000000e+00 : f32
    %add3A_15 = vector.broadcast %add3A_14 : f32 to vector<47x128xf32>
    %add3A_16 = arith.addf %sub3A_13, %add3A_15 : vector<47x128xf32>
    %mul3A = arith.mulf %add3A_12, %add3A_16 : vector<47x128xf32>
    %iota3A = tpu.iota {dimensions = array<i32: 0>} : vector<47x128xi32>
    %iota3A_17 = tpu.iota {dimensions = array<i32: 1>} : vector<47x128xi32>
    %mul3A_18 = arith.constant 128 : i32
    %mul3A_19 = vector.broadcast %mul3A_18 : i32 to vector<47x128xi32>
    %mul3A_20 = arith.muli %iota3A, %mul3A_19 : vector<47x128xi32>
    %add3A_21 = arith.addi %mul3A_20, %iota3A_17 : vector<47x128xi32>
    %lt3A = arith.constant 6000 : i32
    %lt3A_22 = vector.broadcast %lt3A : i32 to vector<47x128xi32>
    %lt3A_23 = arith.cmpi slt, %add3A_21, %lt3A_22 : vector<47x128xi32>
    %jit3A = arith.constant 1073741824 : i32
    %broadcast_in_dim3A = vector.broadcast %jit3A : i32 to vector<47x128xi32>
    %select_n3A = arith.select %lt3A_23, %add3A_21, %broadcast_in_dim3A : vector<47x128xi1>, vector<47x128xi32>
    %swap3A = arith.constant 0 : index
    %swap3A_24 = arith.constant 0 : index
    %swap3A_25 = vector.load %arg5[%swap3A, %swap3A_24] : memref<47x128xi32, #tpu.memory_space<vmem>>, vector<47x128xi32>
    tpu.vector_store %arg5[%swap3A, %swap3A_24], %select_n3A {strides = array<i32>} : memref<47x128xi32, #tpu.memory_space<vmem>>, vector<47x128xi32>,
    %iota3A_26 = tpu.iota {dimensions = array<i32: 1>} : vector<1x128xi32>
    %scan3A = arith.constant 1073741824 : i32
    %scan3A_27 = arith.constant 0xFF800000 : f32
    %scan3A_28 = arith.constant 0 : i32
    %scan3A_29 = arith.constant 300 : i32
    %scan3A_30 = arith.addi %scan3A_28, %scan3A_29 : i32
    %scan3A_31 = arith.constant 1 : i32
    scf.for %scan3A_33 = %scan3A_28 to %scan3A_30 step %scan3A_31  : i32 {
      %get3A_34 = arith.constant 0 : index
      %get3A_35 = arith.constant 0 : index
      %get3A_36 = vector.load %arg5[%get3A_34, %get3A_35] : memref<47x128xi32, #tpu.memory_space<vmem>>, vector<47x128xi32>
      %reduce_min3A = vector.shape_cast %get3A_36 : vector<47x128xi32> to vector<1x47x128xi32>
      %reduce_min3A_37 = arith.constant dense<2147483647> : vector<1xi32>
      %reduce_min3A_38 = vector.multi_reduction <minsi>, %reduce_min3A, %reduce_min3A_37 [1, 2] : vector<1x47x128xi32> to vector<1xi32>
      %reduce_min3A_39 = vector.shape_cast %reduce_min3A_38 : vector<1xi32> to vector<1x1x1xi32>
      %reduce_min3A_40 = vector.extract %reduce_min3A_39[0, 0, 0] : i32 from vector<1x1x1xi32>
      %ge3A = arith.cmpi sge, %reduce_min3A_40, %scan3A : i32
      %jit3A_41 = arith.constant 0 : i32
      %select_n3A_42 = arith.select %ge3A, %jit3A_41, %reduce_min3A_40 : i32
      %jit3A_43 = arith.constant 128 : i32
      %div3A = arith.divsi %select_n3A_42, %jit3A_43 : i32
      %sign3A = arith.constant 0 : i32
      %sign3A_44 = arith.cmpi sgt, %select_n3A_42, %sign3A : i32
      %sign3A_45 = arith.extui %sign3A_44 : i1 to i32
      %sign3A_46 = arith.constant 0 : i32
      %sign3A_47 = arith.cmpi slt, %select_n3A_42, %sign3A_46 : i32
      %sign3A_48 = arith.extui %sign3A_47 : i1 to i32
      %sign3A_49 = arith.subi %sign3A_45, %sign3A_48 : i32
      %sign3A_50 = arith.constant 0 : i32
      %sign3A_51 = arith.cmpi sgt, %jit3A_43, %sign3A_50 : i32
      %sign3A_52 = arith.extui %sign3A_51 : i1 to i32
      %sign3A_53 = arith.constant 0 : i32
      %sign3A_54 = arith.cmpi slt, %jit3A_43, %sign3A_53 : i32
      %sign3A_55 = arith.extui %sign3A_54 : i1 to i32
      %sign3A_56 = arith.subi %sign3A_52, %sign3A_55 : i32
      %ne3A = arith.cmpi ne, %sign3A_49, %sign3A_56 : i32
      %rem3A = arith.remsi %select_n3A_42, %jit3A_43 : i32
      %ne3A_57 = arith.constant 0 : i32
      %ne3A_58 = arith.cmpi ne, %rem3A, %ne3A_57 : i32
      %and3A = arith.andi %ne3A, %ne3A_58 : i1
      %sub3A_59 = arith.constant 1 : i32
      %sub3A_60 = arith.subi %div3A, %sub3A_59 : i32
      %select_n3A_61 = arith.select %and3A, %sub3A_60, %div3A : i32
      %mul3A_62 = arith.constant 128 : i32
      %mul3A_63 = arith.muli %select_n3A_61, %mul3A_62 : i32
      %sub3A_64 = arith.subi %select_n3A_42, %mul3A_63 : i32
      %eq3A = vector.broadcast %sub3A_64 : i32 to vector<1x128xi32>
      %eq3A_65 = arith.cmpi eq, %iota3A_26, %eq3A : vector<1x128xi32>
      %get3A_66 = arith.index_cast %select_n3A_61 : i32 to index
      %get3A_67 = arith.constant 0 : index
      %get3A_68 = vector.load %arg0[%get3A_66, %get3A_67] : memref<47x128xf32, #tpu.memory_space<vmem>>, vector<1x128xf32>
      %broadcast_in_dim3A_69 = vector.broadcast %scan3A_27 : f32 to vector<1x128xf32>
      %select_n3A_70 = arith.select %eq3A_65, %get3A_68, %broadcast_in_dim3A_69 : vector<1x128xi1>, vector<1x128xf32>
      %reduce_max3A = vector.shape_cast %select_n3A_70 : vector<1x128xf32> to vector<1x1x128xf32>
      %reduce_max3A_71 = arith.constant dense<0xFF800000> : vector<1xf32>
      %reduce_max3A_72 = vector.multi_reduction <maximumf>, %reduce_max3A, %reduce_max3A_71 [1, 2] : vector<1x1x128xf32> to vector<1xf32>
      %reduce_max3A_73 = vector.shape_cast %reduce_max3A_72 : vector<1xf32> to vector<1x1x1xf32>
      %reduce_max3A_74 = vector.extract %reduce_max3A_73[0, 0, 0] : f32 from vector<1x1x1xf32>
      %get3A_75 = arith.index_cast %select_n3A_61 : i32 to index
      %get3A_76 = arith.constant 0 : index
      %get3A_77 = vector.load %arg1[%get3A_75, %get3A_76] : memref<47x128xf32, #tpu.memory_space<vmem>>, vector<1x128xf32>
      %broadcast_in_dim3A_78 = vector.broadcast %scan3A_27 : f32 to vector<1x128xf32>
      %select_n3A_79 = arith.select %eq3A_65, %get3A_77, %broadcast_in_dim3A_78 : vector<1x128xi1>, vector<1x128xf32>
      %reduce_max3A_80 = vector.shape_cast %select_n3A_79 : vector<1x128xf32> to vector<1x1x128xf32>
      %reduce_max3A_81 = arith.constant dense<0xFF800000> : vector<1xf32>
      %reduce_max3A_82 = vector.multi_reduction <maximumf>, %reduce_max3A_80, %reduce_max3A_81 [1, 2] : vector<1x1x128xf32> to vector<1xf32>
      %reduce_max3A_83 = vector.shape_cast %reduce_max3A_82 : vector<1xf32> to vector<1x1x1xf32>
      %reduce_max3A_84 = vector.extract %reduce_max3A_83[0, 0, 0] : f32 from vector<1x1x1xf32>
      %get3A_85 = arith.index_cast %select_n3A_61 : i32 to index
      %get3A_86 = arith.constant 0 : index
      %get3A_87 = vector.load %arg2[%get3A_85, %get3A_86] : memref<47x128xf32, #tpu.memory_space<vmem>>, vector<1x128xf32>
      %broadcast_in_dim3A_88 = vector.broadcast %scan3A_27 : f32 to vector<1x128xf32>
      %select_n3A_89 = arith.select %eq3A_65, %get3A_87, %broadcast_in_dim3A_88 : vector<1x128xi1>, vector<1x128xf32>
      %reduce_max3A_90 = vector.shape_cast %select_n3A_89 : vector<1x128xf32> to vector<1x1x128xf32>
      %reduce_max3A_91 = arith.constant dense<0xFF800000> : vector<1xf32>
      %reduce_max3A_92 = vector.multi_reduction <maximumf>, %reduce_max3A_90, %reduce_max3A_91 [1, 2] : vector<1x1x128xf32> to vector<1xf32>
      %reduce_max3A_93 = vector.shape_cast %reduce_max3A_92 : vector<1xf32> to vector<1x1x1xf32>
      %reduce_max3A_94 = vector.extract %reduce_max3A_93[0, 0, 0] : f32 from vector<1x1x1xf32>
      %get3A_95 = arith.index_cast %select_n3A_61 : i32 to index
      %get3A_96 = arith.constant 0 : index
      %get3A_97 = vector.load %arg3[%get3A_95, %get3A_96] : memref<47x128xf32, #tpu.memory_space<vmem>>, vector<1x128xf32>
      %broadcast_in_dim3A_98 = vector.broadcast %scan3A_27 : f32 to vector<1x128xf32>
      %select_n3A_99 = arith.select %eq3A_65, %get3A_97, %broadcast_in_dim3A_98 : vector<1x128xi1>, vector<1x128xf32>
      %reduce_max3A_100 = vector.shape_cast %select_n3A_99 : vector<1x128xf32> to vector<1x1x128xf32>
      %reduce_max3A_101 = arith.constant dense<0xFF800000> : vector<1xf32>
      %reduce_max3A_102 = vector.multi_reduction <maximumf>, %reduce_max3A_100, %reduce_max3A_101 [1, 2] : vector<1x1x128xf32> to vector<1xf32>
      %reduce_max3A_103 = vector.shape_cast %reduce_max3A_102 : vector<1xf32> to vector<1x1x1xf32>
      %reduce_max3A_104 = vector.extract %reduce_max3A_103[0, 0, 0] : f32 from vector<1x1x1xf32>
      %sub3A_105 = arith.subf %reduce_max3A_94, %reduce_max3A_74 : f32
      %add3A_106 = arith.constant 1.000000e+00 : f32
      %add3A_107 = arith.addf %sub3A_105, %add3A_106 : f32
      %sub3A_108 = arith.subf %reduce_max3A_104, %reduce_max3A_84 : f32
      %add3A_109 = arith.constant 1.000000e+00 : f32
      %add3A_110 = arith.addf %sub3A_108, %add3A_109 : f32
      %mul3A_111 = arith.mulf %add3A_107, %add3A_110 : f32
      %max3A = vector.broadcast %reduce_max3A_74 : f32 to vector<47x128xf32>
      %max3A_112 = arith.maximumf %max3A, %get3A_1 : vector<47x128xf32>
      %max3A_113 = vector.broadcast %reduce_max3A_84 : f32 to vector<47x128xf32>
      %max3A_114 = arith.maximumf %max3A_113, %get3A_4 : vector<47x128xf32>
      %min3A = vector.broadcast %reduce_max3A_94 : f32 to vector<47x128xf32>
      %min3A_115 = arith.minimumf %min3A, %get3A_7 : vector<47x128xf32>
      %min3A_116 = vector.broadcast %reduce_max3A_104 : f32 to vector<47x128xf32>
      %min3A_117 = arith.minimumf %min3A_116, %get3A_10 : vector<47x128xf32>
      %sub3A_118 = arith.subf %min3A_115, %max3A_112 : vector<47x128xf32>
      %add3A_119 = arith.constant 1.000000e+00 : f32
      %add3A_120 = vector.broadcast %add3A_119 : f32 to vector<47x128xf32>
      %add3A_121 = arith.addf %sub3A_118, %add3A_120 : vector<47x128xf32>
      %max3A_122 = arith.constant 0.000000e+00 : f32
      %max3A_123 = vector.broadcast %max3A_122 : f32 to vector<47x128xf32>
      %max3A_124 = arith.maximumf %max3A_123, %add3A_121 : vector<47x128xf32>
      %sub3A_125 = arith.subf %min3A_117, %max3A_114 : vector<47x128xf32>
      %add3A_126 = arith.constant 1.000000e+00 : f32
      %add3A_127 = vector.broadcast %add3A_126 : f32 to vector<47x128xf32>
      %add3A_128 = arith.addf %sub3A_125, %add3A_127 : vector<47x128xf32>
      %max3A_129 = arith.constant 0.000000e+00 : f32
      %max3A_130 = vector.broadcast %max3A_129 : f32 to vector<47x128xf32>
      %max3A_131 = arith.maximumf %max3A_130, %add3A_128 : vector<47x128xf32>
      %mul3A_132 = arith.mulf %max3A_124, %max3A_131 : vector<47x128xf32>
      %add3A_133 = vector.broadcast %mul3A_111 : f32 to vector<47x128xf32>
      %add3A_134 = arith.addf %add3A_133, %mul3A : vector<47x128xf32>
      %sub3A_135 = arith.subf %add3A_134, %mul3A_132 : vector<47x128xf32>
      %div3A_136 = arith.divf %mul3A_132, %sub3A_135 : vector<47x128xf32>
      %gt3A = arith.constant 0.699999988 : f32
      %gt3A_137 = vector.broadcast %gt3A : f32 to vector<47x128xf32>
      %gt3A_138 = arith.cmpf ogt, %div3A_136, %gt3A_137 : vector<47x128xf32>
      %broadcast_in_dim3A_139 = vector.broadcast %scan3A : i32 to vector<47x128xi32>
      %select_n3A_140 = arith.select %gt3A_138, %broadcast_in_dim3A_139, %get3A_36 : vector<47x128xi1>, vector<47x128xi32>
      %swap3A_141 = arith.constant 0 : index
      %swap3A_142 = arith.constant 0 : index
      %swap3A_143 = vector.load %arg5[%swap3A_141, %swap3A_142] : memref<47x128xi32, #tpu.memory_space<vmem>>, vector<47x128xi32>
      tpu.vector_store %arg5[%swap3A_141, %swap3A_142], %select_n3A_140 {strides = array<i32>} : memref<47x128xi32, #tpu.memory_space<vmem>>, vector<47x128xi32>,
      %eq3A_144 = arith.constant 1 : i32
      %eq3A_145 = vector.broadcast %eq3A_144 : i32 to vector<1x128xi32>
      %eq3A_146 = arith.cmpi eq, %iota3A_26, %eq3A_145 : vector<1x128xi32>
      %eq3A_147 = arith.constant 2 : i32
      %eq3A_148 = vector.broadcast %eq3A_147 : i32 to vector<1x128xi32>
      %eq3A_149 = arith.cmpi eq, %iota3A_26, %eq3A_148 : vector<1x128xi32>
      %eq3A_150 = arith.constant 3 : i32
      %eq3A_151 = vector.broadcast %eq3A_150 : i32 to vector<1x128xi32>
      %eq3A_152 = arith.cmpi eq, %iota3A_26, %eq3A_151 : vector<1x128xi32>
      %eq3A_153 = arith.constant 4 : i32
      %eq3A_154 = vector.broadcast %eq3A_153 : i32 to vector<1x128xi32>
      %eq3A_155 = arith.cmpi eq, %iota3A_26, %eq3A_154 : vector<1x128xi32>
      %jit3A_156 = arith.constant 0.000000e+00 : f32
      %broadcast_in_dim3A_157 = vector.broadcast %reduce_max3A_104 : f32 to vector<1x128xf32>
      %broadcast_in_dim3A_158 = vector.broadcast %jit3A_156 : f32 to vector<1x128xf32>
      %select_n3A_159 = arith.select %eq3A_155, %broadcast_in_dim3A_157, %broadcast_in_dim3A_158 : vector<1x128xi1>, vector<1x128xf32>
      %broadcast_in_dim3A_160 = vector.broadcast %reduce_max3A_94 : f32 to vector<1x128xf32>
      %select_n3A_161 = arith.select %eq3A_152, %broadcast_in_dim3A_160, %select_n3A_159 : vector<1x128xi1>, vector<1x128xf32>
      %broadcast_in_dim3A_162 = vector.broadcast %reduce_max3A_84 : f32 to vector<1x128xf32>
      %select_n3A_163 = arith.select %eq3A_149, %broadcast_in_dim3A_162, %select_n3A_161 : vector<1x128xi1>, vector<1x128xf32>
      %broadcast_in_dim3A_164 = vector.broadcast %reduce_max3A_74 : f32 to vector<1x128xf32>
      %select_n3A_165 = arith.select %eq3A_146, %broadcast_in_dim3A_164, %select_n3A_163 : vector<1x128xi1>, vector<1x128xf32>
      %swap3A_166 = arith.index_cast %scan3A_33 : i32 to index
      %swap3A_167 = arith.constant 0 : index
      %swap3A_168 = vector.load %arg4[%swap3A_166, %swap3A_167] : memref<300x128xf32, #tpu.memory_space<vmem>>, vector<1x128xf32>
      tpu.vector_store %arg4[%swap3A_166, %swap3A_167], %select_n3A_165 {strides = array<i32>} : memref<300x128xf32, #tpu.memory_space<vmem>>, vector<1x128xf32>,
    }
    %scan3A_32 = arith.constant 300 : i32
    return
  }
}

</mosaic_0001>

<sc_bundles>
// kernel: gather_offload_async_start
scs
__scs_entry_jumppad:
0x0: {  	(pc) =	sbr.rel $0x88, $3  }
0x1: {  	(tag) =	ssettag $0x0;
	lr =	simm.s32 $0x1  }
0x2: {  	[smem:$0x3F99] =	sst lr;
	_ =	strace $0xD0000000  }
0x3: {  	_ = 	snop  }
0x4: {  	_ = 	snop  }
0x5: {  	_ = 	snop  }
0x6: {  	_ = 	snop  }
0x7: {  	_ = 	snop  }
__scs_overlays_trampoline_lowered:
0x8: {  	[smem:$0x3FA8] =	sst s0  }
0x9: {  	[smem:$0x3FA9] =	sst s1  }
0xa: {  	[smem:$0x3FAA] =	sst s2  }
0xb: {  	[smem:$0x3FAB] =	sst s3  }
0xc: {  	[smem:$0x3FAC] =	sst s4  }
0xd: {  	[smem:$0x3FAD] =	sst s5  }
0xe: {  	[smem:$0x3FAE] =	sst s6  }
0xf: {  	[smem:$0x3FAF] =	sst s7  }
0x10: {  	[smem:$0x3FB0] =	sst s8  }
0x11: {  	[smem:$0x3FB1] =	sst s9;
	s0 =	simm.s32 @!p0 $0x0  }
0x12: {  	s1 =	sld [smem:$0x3F97];
	s0 =	simm.s32 @p0 $0x1  }
0x13: {  	[smem:$0x3FB2] =	sst s0;
	s0 =	simm.s32 @!p1 $0x0  }
0x14: {  	s2 =	sld [smem:$0x3F96];
	s0 =	simm.s32 @p1 $0x1  }
0x15: {  	[smem:$0x3FB3] =	sst s0;
	s0 =	simm.s32 @!p2 $0x0  }
0x16: {  	s3 =	sld [smem:$0x3FDB];
	s0 =	simm.s32 @p2 $0x1  }
0x17: {  	s4 =	simm.s32 $0x1BF5;
	[smem:$0x3FB5] =	sst s0  }
0x18: {  	s0 =	sld [smem:$0x3F98];
	_ =	swait.ge [sflag:s4], $0x0  }
0x19: {  	s7 =	sld [smem:$0x3F99]  }
0x1a: {  	s8 =	sadd.s32 $0xFFFFE003, lr  }
0x1b: {  	s9 =	sadd.s32 $0xFFFFFEF7, lr;
	s5 =	simm.s32 $0xFFFFFFFF;
	p2 =	slt.u32 s8, $0xFFFFF086  }
0x1c: {  	p1 =	slt.u32 s9, $0xF7A;
	s5 =	simm.s32 @!p2 $0x0  }
0x1d: {  	s5 =	simm.s32 @p1 $0x1;
	p0 =	seq.s32 s7, s2  }
0x1e: {  	s7 =	smul.u32 @!p0 $0xF7A, s2;
	p2 =	seq.s32 @!p0 s5, $0x0  }
0x1f: {  	s9 =	smul.u32 $0xF7A, s1;
	s8 =	simm.s32 @!p0 $0x1BF5;
	p2 =	por !p2, p0  }
0x20: {  	[sflag:s8] =	ssyncset.s32 @!p0 $0xFFFFF086;
	s6 =	sadd.s32 @!p0 s3, s7;
	s7 =	simm.s32 @!p0 $0x108  }
0x21: {  	s3 =	sadd.s32 s3, s9;
	s6 =	sadd.s32 @!p0 $0x88, s6;
	s7 =	simm.s32 @p2 $0x1082  }
0x22: {  	[simem:s7], [sflag:s8] =	dma.local @!p0 [hbm:s6], $0xF7A  }
0x23: {  	s9 =	sor.u32 $0xD0000000, s2;
	s6 =	simm.s32 $0x108;
	_ =	swait.ge @!p0 [sflag:s8], $0x0  }
0x24: {  	s3 =	sadd.s32 $0x88, s3;
	s6 =	simm.s32 @!p1 $0x1082;
	[sflag:s4] =	ssyncset.s32 $0xFFFFF086  }
0x25: {  	[simem:s6], [sflag:s4] =	dma.local [hbm:s3], $0xF7A  }
0x26: {  	[smem:$0x3F99] =	sst s1;
	(tag) =	ssettag s2;
	_ =	strace s9  }
0x27: {  	s1 =	sld [smem:$0x3FA9]  }
0x28: {  	s2 =	sld [smem:$0x3FAA]  }
0x29: {  	s4 =	sld [smem:$0x3FAC]  }
0x2a: {  	p0 =	seq.s32 s5, $0x0;
	s5 =	sld [smem:$0x3FAD]  }
0x2b: {  	s6 =	sld [smem:$0x3FAE]  }
0x2c: {  	s7 =	sld [smem:$0x3FAF]  }
0x2d: {  	s3 =	simm.s32 $0x108;
	s8 =	sld [smem:$0x3FB0]  }
0x2e: {  	s3 =	simm.s32 @!p0 $0x1082;
	s9 =	sld [smem:$0x3FB1]  }
0x2f: {  	lr =	sadd.s32 s0, s3;
	s0 =	sld [smem:$0x3FA8]  }
0x30: {  	s3 =	sld [smem:$0x3FAB]  }
0x31: {  	[smem:$0x3FB4] =	sst s10  }
0x32: {  	s10 =	sld [smem:$0x3FB2];
	_ =	sdelay $0x3  }
0x33: {  	p0 =	seq.s32 s10, $0x1;
	s10 =	sld [smem:$0x3FB4];
	_ =	sdelay $0x3  }
0x34: {  	[smem:$0x3FB4] =	sst s10  }
0x35: {  	s10 =	sld [smem:$0x3FB3];
	_ =	sdelay $0x3  }
0x36: {  	p1 =	seq.s32 s10, $0x1;
	s10 =	sld [smem:$0x3FB4];
	_ =	sdelay $0x3  }
0x37: {  	[smem:$0x3FB4] =	sst s10  }
0x38: {  	s10 =	sld [smem:$0x3FB5]  }
0x39: {  	_ = 	snop;
	(pc) =	sbr.ind lr, $3  }
0x3a: {  	_ = 	snop  }
0x3b: {  	_ = 	snop  }
0x3c: {  	p2 =	seq.s32 s10, $0x1;
	s10 =	sld [smem:$0x3FB4]  }
0x3d: {  	_ =	shalt  }
0x3e: {  	_ =	shalt  }
0x3f: {  	_ =	shalt  }
0x40: {  	_ =	shalt  }
0x41: {  	_ =	shalt  }
0x42: {  	_ =	shalt  }
0x43: {  	_ =	shalt  }
0x44: {  	_ =	shalt  }
0x45: {  	_ =	shalt  }
0x46: {  	_ =	shalt  }
0x47: {  	_ =	shalt  }
0x48: {  	_ =	shalt  }
0x49: {  	_ =	shalt  }
0x4a: {  	_ =	shalt  }
0x4b: {  	_ =	shalt  }
0x4c: {  	_ =	shalt  }
0x4d: {  	_ =	shalt  }
0x4e: {  	_ =	shalt  }
0x4f: {  	_ =	shalt  }
0x50: {  	_ =	shalt  }
0x51: {  	_ =	shalt  }
0x52: {  	_ =	shalt  }
0x53: {  	_ =	shalt  }
0x54: {  	_ =	shalt  }
0x55: {  	_ =	shalt  }
0x56: {  	_ =	shalt  }
0x57: {  	_ =	shalt  }
0x58: {  	_ =	shalt  }
0x59: {  	_ =	shalt  }
0x5a: {  	_ =	shalt  }
0x5b: {  	_ =	shalt  }
0x5c: {  	_ =	shalt  }
0x5d: {  	_ =	shalt  }
0x5e: {  	_ =	shalt  }
0x5f: {  	_ =	shalt  }
0x60: {  	_ =	shalt  }
0x61: {  	_ =	shalt  }
0x62: {  	_ =	shalt  }
0x63: {  	_ =	shalt  }
0x64: {  	_ =	shalt  }
0x65: {  	_ =	shalt  }
0x66: {  	_ =	shalt  }
0x67: {  	_ =	shalt  }
0x68: {  	_ =	shalt  }
0x69: {  	_ =	shalt  }
0x6a: {  	_ =	shalt  }
0x6b: {  	_ =	shalt  }
0x6c: {  	_ =	shalt  }
0x6d: {  	_ =	shalt  }
0x6e: {  	_ =	shalt  }
0x6f: {  	_ =	shalt  }
0x70: {  	_ =	shalt  }
0x71: {  	_ =	shalt  }
0x72: {  	_ =	shalt  }
0x73: {  	_ =	shalt  }
0x74: {  	_ =	shalt  }
0x75: {  	_ =	shalt  }
0x76: {  	_ =	shalt  }
0x77: {  	_ =	shalt  }
0x78: {  	_ =	shalt  }
0x79: {  	_ =	shalt  }
0x7a: {  	_ =	shalt  }
0x7b: {  	_ =	shalt  }
0x7c: {  	_ =	shalt  }
0x7d: {  	_ =	shalt  }
0x7e: {  	_ =	shalt  }
0x7f: {  	_ =	shalt  }
0x80: {  	_ =	shalt  }
0x81: {  	_ =	shalt  }
0x82: {  	_ =	shalt  }
0x83: {  	_ =	shalt  }
0x84: {  	_ =	shalt  }
0x85: {  	_ =	shalt  }
0x86: {  	_ =	shalt  }
0x87: {  	_ =	shalt  }
.Lfunc_end0:
.L_simem_size_0:
called_computation_lowered:
.L_overlay_start_0:
0x88: {  	s0 =	sld [smem:$0x3FD9]  }
0x89: {  	s1 =	sld [smem:$0x3FFE];
	_ =	sdelay $0x3  }
0x8a: {  	s0 =	sadd.s32 s1, s0  }
0x8b: {  	[smem:$0x3FC0] =	sst s0  }
0x8c: {  	_ = 	snop  }
0x8d: {  	(tm) =	ssettm $0x1  }
0x8e: {  	s15 =	sld [smem:$0x3FFB];
	_ =	sdelay $0x3  }
0x8f: {  	_ =	strace s15  }
0x90: {  	s0 =	sld [smem:$0x3FFC];
	_ =	sdelay $0x3  }
0x91: {  	_ =	strace s0  }
0x92: {  	s0 =	sld [smem:$0x3FFD];
	_ =	sdelay $0x3  }
0x93: {  	_ =	strace s0  }
0x94: {  	_ =	strace $0x8FFFFFFF  }
0x95: {  	s16 =	sld [smem:$0x3FDB];
	_ =	sdelay $0x1  }
0x96: {  	s17 =	simm.s32 $_scs_section_size  }
0x97: {  	s2 =	simm.s32 $_size__tile_overlayer_lowered;
	s3 =	simm.s32 $_tile_overlayer_lowered  }
0x98: {  	s20 =	simm.s32 $0x1BFF;
	s19 =	sshll.u32 s3, $0x1;
	s0 =	sadd.s32 s17, s16  }
0x99: {  	s4 =	simm.s32 $0x0;
	s18 =	sshll.u32 s2, $0x1;
	s2 =	sadd.s32 s19, s0  }
0x9a: {  	[timem:s4], [sflag:s20] =	dma.local [hbm:s2], s18  }
0x9b: {  	_ =	swait.ge [sflag:s20], s18  }
0x9c: {  	s1 =	ssub.s32 $0x0, s18;
	[sflag:s20] =	ssyncset.done $0x0  }
0x9d: {  	[sflag:s20] =	ssyncadd.s32 s1;
	_ =	sdelay $0x1  }
0x9e: {  	s21 =	simm.s32 $0x1B8B  }
0x9f: {  	_ =	swait.ge [sflag:s21], $0x1  }
0xa0: {  	[sflag:s21] =	ssyncset.done $0x0  }
0xa1: {  	s23 =	simm.s32 $0x1B8E;
	s22 =	sld [smem:$0x3FFE];
	[sflag:s21] =	ssyncadd.s32 $0xFFFFFFFF  }
0xa2: {  	s24 =	simm.s32 $execute0_lowered;
	[smem:$0x3FD2] =	sst s23  }
0xa3: {  	s2 =	sshll.u32 s24, $0x1;
	_ =	strace $0x80000046;
	[dreg:$0x1] =	wrdreg $0xFFFFFFFF  }
0xa4: {  	s25 =	simm.s32 $_size_execute0_lowered;
	s0 =	sadd.s32 s0, s2;
	[dreg:$0x0] =	wrdreg $0x0  }
0xa5: {  	s2 =	sshll.u32 s25, $0x1;
	[dreg:$0x2] =	wrdreg s0  }
0xa6: {  	[dreg:$0x3] =	wrdreg s2  }
0xa7: {  	[dreg:$0x4] =	wrdreg $0xC0  }
0xa8: {  	_ =	task [dreg:s4], $0x5FFFF  }
0xa9: {  	[dreg:$0x1] =	wrdreg $0xFFFFFFFF  }
0xaa: {  	[dreg:$0x0] =	wrdreg $0x60  }
0xab: {  	[dreg:$0x2] =	wrdreg s22  }
0xac: {  	[dreg:$0x3] =	wrdreg $0x9  }
0xad: {  	_ =	task.clear_ibuf [dreg:s4], $0x4FFFF;
	_ =	strace $0x90000046  }
0xae: {  	s26 =	simm.s32 $0x9;
	_ =	strace $0x80000048  }
0xaf: {  	_ =	swait.ge [sflag:s26], $0x1  }
0xb0: {  	[sflag:s26] =	ssyncadd.s32 $0xFFFFFFFF  }
0xb1: {  	_ =	strace $0x90000048  }
0xb2: {  	_ =	sfence  }
0xb3: {  	s28 =	sld [smem:$0x0];
	_ =	sdelay $0x1  }
0xb4: {  	s29 =	srdreg.scid  }
0xb5: {  	s30 =	sshll.u32 s29, $0xD;
	s31 =	sshrl.u32 s29, $0x2  }
0xb6: {  	s1 =	sand.u32 $0x1, s29;
	s2 =	sand.u32 $0x4000, s30;
	s0 =	sadd.s32 s31, s28  }
0xb7: {  	s1 =	sor.u32 s2, s1;
	s0 =	sshll.u32 s0, $0x11  }
0xb8: {  	s0 =	sor.u32 s0, s1  }
0xb9: {  	s0 =	sadd.s32 $0x8F2B, s0  }
0xba: {  	[sflag:s0] =	ssyncadd.remote.s32 $0x1  }
0xbb: {  	_ =	sfence.sel $0xFFFF  }
0xbc: {  	[dreg:$0x0] =	wrdreg $0xFFFFFFFF;
	(pc) =	sbr.abs _section_cstart, $3  }
0xbd: {  	[dreg:$0x1] =	wrdreg $0xFFFFFFFF  }
0xbe: {  	_ =	task.clear_ibuf [dreg:s4], $0x2FFFF;
	_ =	strace $0x9FFFFFFF  }
0xbf: {  	(tm) =	ssettm $0x7FFFFFFF  }
tec
execute0_lowered:
.L_overlay_start_1:
0x0: {  	(tag) =	ssettag $0x1  }
0x1: {  	s0 =	stileid.u32  }
0x2: {  	s1 =	smin.u32 s0, $0xE  }
0x3: {  	s1 =	sadd.s32 s0, s1  }
0x4: {  	s2 =	simm.s32 $0x190;
	p0 =	slt.u32 s0, $0xE;
	s1 =	smul.u32 $0xC8, s1  }
0x5: {  	s2 =	simm.s32 @!p0 $0xC8  }
0x6: {  	s2 =	sadd.s32 s2, s1  }
0x7: {  	s3 =	smin.u32 s2, $0x1770  }
0x8: {  	s7 =	ssub.s32 s3, s1  }
0x9: {  	p0 =	sgt.s32 s7, $0x0  }
0xa: {  	s7 =	simm.s32 @!p0 $0x0  }
0xb: {  	s31 =	sand.u32 $0xFFF8, s7  }
0xc: {  	s2 =	sshrl.u32 s31, $0x3  }
0xd: {  	s2 =	smul.u32 $0x147B, s2  }
0xe: {  	s9 =	rddreg [dreg:$0x0];
	s6 =	simm.s32 $0x1;
	s11 =	simm.s32 $0x3  }
0xf: {  	s13 =	simm.s32 $0x0;
	s12 =	simm.s32 $0x0;
	s8 =	sshrl.u32 s2, $0x11  }
0x10: {  	s4 =	sadd.s32 $0xA00, s9;
	s5 =	sadd.s32 $0x600, s9;
	s10 =	smul.u32 $0xC8, s8  }
.Ltmp0:
0x11: {  	s9 =	sadd.s32 $0x90A00, s9;
	s2 =	rddreg [dreg:$0x1];
	(pc) =	sbr.rel .LBB2_1-.Ltmp0, $4  }
0x12: {  	_ =	strace $0x80000047;
	p0 =	sne.s32 s7, s10;
	s10 =	simm.s32 $0x1  }
0x13: {  	[sflag:s6] =	ssyncpa.u1 $0x0;
	s7 =	simm.s32 $0x2;
	s10 =	simm.s32 @!p0 $0x0  }
0x14: {  	[sflag:s7] =	ssyncpa.u1 $0x0;
	p0 =	por $0x0, $0x0;
	s8 =	sadd.s32 s8, s10  }
0x15: {  	vm0 =	vmmov $0xff;
	vm1 =	vcmask $0x3F20;
	[sflag:s11] =	ssyncpa.u1 $0x0;
	s11 =	smov.u32 s1;
	s10 =	sadd.s32 $0x1, s8  }
.LBB2_6:
0x16: {  	[hbm:s17] =	stream.linear.scatter [tilespmem:s14], [sflag:$0x3], $0x400, $0x38;
	[tilespmem:$0xC990] =	vst v63  }
.LBB2_7:
0x17: {  	s13 =	sadd.s32 $0xC8, s11  }
0x18: {  	s15 =	smov.u32 s1;
	p2 =	slt.s32 s13, s3  }
0x19: {  	s15 =	smov.u32 @p2 s13;
	p2 =	sne.s32 s12, s10  }
.Ltmp1:
0x1a: {  	p1 =	slt.u32 s12, $0x2;
	(pc) =	sbr.rel @!p2 .LBB2_8-.Ltmp1, $4  }
0x1b: {  	s14 =	simm.s32 @!p1 $0x3  }
0x1c: {  	s16 =	sadd.s32 $0x1, s12;
	_ =	swait.ge @!p1 [sflag:s14], $0x6400  }
0x1d: {  	p0 =	por !p0, !p0;
	s13 =	smov.u32 s11;
	[sflag:s14] =	ssyncset.done @!p1 $0x0  }
0x1e: {  	s12 =	smov.u32 s16;
	s11 =	smov.u32 s15;
	[sflag:s14] =	ssyncadd.s32 @!p1 $0xFFFF9C00  }
.LBB2_1:
0x1f: {  	p1 =	sge.u32 s12, s8  }
0x20: {  	s14 =	sxor.u32 @!p1 $0xFFFFFFFF, s12  }
0x21: {  	s14 =	sand.u32 @!p1 $0x1, s14  }
0x22: {  	s14 =	smul.u32 @!p1 $0x320, s14  }
0x23: {  	s31 =	sadd.s32 $0xFFFFFFFF, s12;
	s15 =	sshrl.u32 @!p1 s11, $0x3  }
0x24: {  	s16 =	sand.u32 @!p1 $0x7, s11;
	s15 =	sadd.s32 @!p1 s5, s15;
	s14 =	sshrl.u32 @!p1 s14, $0x2  }
0x25: {  	[tilespmem:s14], [sflag:$0x2] =	stream.linear.gather @!p1 [hbm4b:s15+s16], $0xC8, $0x38;
	[tilespmem:$0xC990] =	vst v63  }
0x26: {  	p1 =	sge.u32 s31, s8  }
.Ltmp2:
0x27: {  	_ = 	snop;
	(pc) =	sbr.rel @p1 .LBB2_7-.Ltmp2, $1  }
0x28: {  	_ =	sdelay $0x3  }
0x29: {  	s14 =	simm.s32 $0x1  }
0x2a: {  	s14 =	simm.s32 @!p0 $0x0  }
0x2b: {  	s15 =	smul.u32 $0x320, s14  }
0x2c: {  	_ =	swait.ge [sflag:s7], $0xC8  }
0x2d: {  	[sflag:s7] =	ssyncset.done $0x0;
	s16 =	sshrl.u32 s15, $0x2  }
0x2e: {  	[sflag:s7] =	ssyncadd.s32 $0xFFFFFF38;
	s15 =	sadd.s32 $0x0, s16  }
0x2f: {  	v0 =	vld.msk [tilespmem:s15+$0x0 ss:$0x1], $0xffff;
	_ =	sdelay $0x4  }
0x30: {  	vm2 =	vgt.s32 v0, $0x0  }
0x31: {  	v0 =	vnsel vm2, $0x0, v0  }
0x32: {  	v0 =	vmin.u32 v0, $0x8FFF  }
0x33: {  	v0 =	vshll.u32 v0, $0x4  }
0x34: {  	s14 =	smul.u32 $0x19000, s14  }
0x35: {  	s31 =	sand.u32 $0x1, s12  }
0x36: {  	s17 =	smul.u32 $0x320, s31;
	s14 =	sshrl.u32 s14, $0x2  }
0x37: {  	s19 =	smul.u32 $0x19000, s31;
	s14 =	sor.u32 $0x190, s14  }
0x38: {  	[tilespmem:s14], [sflag:$0x1] =	stream.indirect_vreg.gather [hbm:s4], $0x80, v0, vm0, $0x38;
	[tilespmem:$0xC990] =	vst v63  }
0x39: {  	s18 =	sshrl.u32 s17, $0x2;
	s20 =	sadd.s32 $0x10, s16;
	s15 =	sadd.s32 $0x400, s14  }
0x3a: {  	[tilespmem:s15], [sflag:$0x1] =	stream.indirect_vreg.gather [hbm:s4], $0x80, v0, vm1, $0x38;
	[tilespmem:$0xC990] =	vst v63  }
0x3b: {  	s17 =	sshrl.u32 s19, $0x2;
	s19 =	smov.u32 s14;
	v0 =	vld.msk [tilespmem:s20+$0x0 ss:$0x1], $0xffff;
	s20 =	simm.s32 $0x80  }
.LBB2_3:
0x3c: {  	p1 =	sne.s32 s20, $0x2C0;
	_ =	sdelay $0x4  }
0x3d: {  	vm2 =	vgt.s32 v0, $0x0  }
0x3e: {  	v0 =	vnsel vm2, $0x0, v0  }
0x3f: {  	v0 =	vmin.u32 v0, $0x8FFF  }
0x40: {  	v0 =	vshll.u32 v0, $0x4;
	_ =	sdelay $0x3  }
.Ltmp3:
0x41: {  	s21 =	sshra.s32 s20, $0x2;
	s19 =	sadd.s32 $0x800, s19;
	(pc) =	sbr.rel @p1 .LBB2_3-.Ltmp3, $4  }
0x42: {  	[tilespmem:s19], [sflag:$0x1] =	stream.indirect_vreg.gather [hbm:s4], $0x80, v0, vm0, $0x38;
	[tilespmem:$0xC990] =	vst v63  }
0x43: {  	s21 =	sadd.s32 s21, s16;
	s22 =	sadd.s32 $0x400, s19  }
0x44: {  	[tilespmem:s22], [sflag:$0x1] =	stream.indirect_vreg.gather [hbm:s4], $0x80, v0, vm1, $0x38;
	[tilespmem:$0xC990] =	vst v63  }
0x45: {  	s20 =	sadd.s32 $0x40, s20;
	v0 =	vld.msk [tilespmem:s21+$0x0 ss:$0x1], $0xffff  }
0x46: {  	_ =	sdelay $0x3  }
0x47: {  	vm2 =	vgt.s32 v0, $0x0  }
0x48: {  	v0 =	vnsel vm2, $0x0, v0  }
0x49: {  	v0 =	vmin.u32 v0, $0x8FFF  }
0x4a: {  	v0 =	vshll.u32 v0, $0x4;
	_ =	sdelay $0x3  }
0x4b: {  	s16 =	sadd.s32 $0x800, s19  }
0x4c: {  	[tilespmem:s16], [sflag:$0x1] =	stream.indirect_vreg.gather [hbm:s4], $0x80, v0, vm0, $0x38;
	[tilespmem:$0xC990] =	vst v63  }
0x4d: {  	s16 =	sadd.s32 $0x400, s16  }
0x4e: {  	[tilespmem:s16], [sflag:$0x1] =	stream.indirect_vreg.gather [hbm:s4], $0x80, v0, vm1, $0x38;
	[tilespmem:$0xC990] =	vst v63  }
0x4f: {  	v0 =	vld.msk [tilespmem:s18+$0xC0 ss:$0x1], $0xff;
	_ =	sdelay $0x4  }
0x50: {  	vm2 =	vgt.s32 v0, $0x0  }
0x51: {  	v0 =	vnsel vm2, $0x0, v0  }
0x52: {  	v0 =	vmin.u32 v0, $0x8FFF  }
0x53: {  	v0 =	vshll.u32 v0, $0x4;
	_ =	sdelay $0x3  }
0x54: {  	s31 =	sadd.s32 $0x6190, s17  }
0x55: {  	[tilespmem:s31], [sflag:$0x1] =	stream.indirect_vreg.gather [hbm:s4], $0x80, v0, vm0, $0x38;
	[tilespmem:$0xC990] =	vst v63  }
0x56: {  	s13 =	sshll.u32 s13, $0x4;
	_ =	swait.ge [sflag:s6], $0x6400  }
0x57: {  	s13 =	sadd.s32 s13, s9;
	[sflag:s6] =	ssyncset.done $0x0  }
0x58: {  	s17 =	sadd.s32 $0x0, s13;
	s16 =	simm.s32 $0x80;
	[sflag:s6] =	ssyncadd.s32 $0xFFFF9C00  }
.LBB2_5:
0x59: {  	[hbm:s17] =	stream.linear.scatter [tilespmem:s14], [sflag:$0x3], $0x400, $0x38;
	[tilespmem:$0xC990] =	vst v63  }
0x5a: {  	s17 =	smov.u32 s16;
	s14 =	smov.u32 s15;
	p1 =	sne.s32 s16, $0xC00  }
.Ltmp4:
0x5b: {  	s16 =	sadd.s32 $0x80, s16;
	(pc) =	sbr.rel @p1 .LBB2_5-.Ltmp4, $2  }
0x5c: {  	_ =	sdelay $0x2  }
0x5d: {  	s15 =	sadd.s32 $0x400, s15;
	s17 =	sadd.s32 s17, s13  }
.Ltmp5:
0x5e: {  	_ = 	snop;
	(pc) =	sbr.rel .LBB2_6-.Ltmp5, $1  }
0x5f: {  	_ =	sdelay $0x3  }
.LBB2_8:
0x60: {  	_ =	sfence.sel $0x180000  }
0x61: {  	s1 =	simm.s32 $0x2;
	[bflag:$0x0] =	sbarrier.arrive $0xFFFF  }
0x62: {  	s30 =	simm.s32 $0x3;
	[sflag:s1] =	ssyncpa.u1 $0x1  }
0x63: {  	s31 =	simm.s32 $0x1;
	[sflag:s30] =	ssyncpa.u1 $0x1  }
0x64: {  	[sflag:s31] =	ssyncpa.u1 $0x1  }
0x65: {  	p0 =	sne.s32 s0, $0x0;
	_ =	strace $0x90000047  }
0x66: {  	s0 =	sadd.s32 @!p0 $0x100000, s2;
	[bflag:$0x2] =	sbarrier.arrive $0xFFFF  }
0x67: {  	[sflag:s0] =	ssyncadd.tile.s32 @!p0 $0x1;
	_ =	shalt  }
.Lfunc_end2:
_tile_overlayer_lowered:
.L_overlay_start_2:
0x68: {  	(tag) =	ssettag $0x2  }
0x69: {  	s0 =	rddreg [dreg:$0x0];
	s2 =	stileid.u32  }
0x6a: {  	s1 =	rddreg [dreg:$0x1];
	p0 =	sne.s32 s2, $0x0  }
0x6b: {  	s3 =	rddreg [dreg:$0x2];
	[bflag:$0x3] =	sbarrier.arrive $0xFFFF;
	s2 =	simm.s32 @!p0 $0x1C01  }
0x6c: {  	[timem:s3], [sflag:s2] =	dma.local @!p0 [hbm:s0], s1  }
0x6d: {  	s0 =	simm.s32 @!p0 $0x1  }
0x6e: {  	_ =	swait.ge @!p0 [sflag:s0], s1  }
0x6f: {  	s1 =	ssub.s32 @!p0 $0x0, s1;
	[sflag:s0] =	ssyncset.done @!p0 $0x0  }
0x70: {  	[sflag:s0] =	ssyncadd.s32 @!p0 s1  }
0x71: {  	[bflag:$0x3] =	sbarrier.arrive $0xFFFF  }
0x72: {  	_ =	shalt  }

</sc_bundles>
